<compile_context>
chip_gen: v7x
topology: tpu7x:2x2x1
jax: 0.10.2.dev20260603
libtpu: 0.0.44.dev20260713+nightly
codegen_flags: <defaults>
</compile_context>

<pallas_src>
import functools

import jax
import jax.numpy as jnp
from jax import lax
from jax.experimental import pallas as pl
from jax.experimental.pallas import tpu as pltpu
from jax.experimental.pallas import tpu_sc as plsc

M = 8192
F = 4096
H = 128
B = 32
MB = 512
NBLK = M // MB

_DN_T = (((1,), (1,)), ((), ()))


def _dot_t(a, b):
    return lax.dot_general(a, b, _DN_T, preferred_element_type=jnp.float32)


def _argmin_body(mem_ref, W_ref, flat_ref, b_ref, out_ref, g_ref, min_ref):
    i = pl.program_id(0)
    thr = 0.5 - b_ref[...]

    @pl.when(i == 0)
    def _init():
        hf_logits = _dot_t(flat_ref[...], W_ref[...])
        hf = (hf_logits > thr).astype(jnp.float32)
        g_ref[...] = 1.0 - 2.0 * hf
        min_ref[...] = jnp.full((1, B), 1e30, jnp.float32)

    logits = _dot_t(mem_ref[...], W_ref[...])
    hm = (logits > thr).astype(jnp.float32)
    sT = _dot_t(hm, g_ref[...])
    m_ids = lax.broadcasted_iota(jnp.int32, (MB, B), 0).astype(jnp.float32)
    key = sT * float(M) + (m_ids + jnp.float32(i * MB))
    min_ref[...] = jnp.minimum(min_ref[...],
                               jnp.min(key, axis=0, keepdims=True))

    @pl.when(i == NBLK - 1)
    def _fin():
        k = min_ref[...]
        idx = k - jnp.floor(k / float(M)) * float(M)
        out_ref[...] = idx.astype(jnp.int32)


def _hash_argmin(memory, flat, hash_W, hash_b):
    idx2d = pl.pallas_call(
        _argmin_body,
        grid=(NBLK,),
        in_specs=[
            pl.BlockSpec((MB, F), lambda i: (i, 0)),
            pl.BlockSpec((H, F), lambda i: (0, 0)),
            pl.BlockSpec((B, F), lambda i: (0, 0)),
            pl.BlockSpec((1, H), lambda i: (0, 0)),
        ],
        out_specs=pl.BlockSpec((1, B), lambda i: (0, 0)),
        scratch_shapes=[
            pltpu.VMEM((B, H), jnp.float32),
            pltpu.VMEM((1, B), jnp.float32),
        ],
        out_shape=jax.ShapeDtypeStruct((1, B), jnp.int32),
        compiler_params=pltpu.CompilerParams(
            dimension_semantics=("arbitrary",),
        ),
    )(memory, hash_W, flat, hash_b.reshape(1, H))
    return idx2d.reshape(B)


@functools.cache
def _make_sc_gather():
    mesh = plsc.VectorSubcoreMesh(core_axis_name="c", subcore_axis_name="s",
                                  num_cores=1)
    rows_per_worker = 8
    n_workers = B // rows_per_worker

    @functools.partial(
        pl.kernel,
        mesh=mesh,
        out_type=jax.ShapeDtypeStruct((B, F), jnp.float32),
        scratch_types=[
            pltpu.VMEM((rows_per_worker,), jnp.int32),
            pltpu.VMEM((rows_per_worker, F), jnp.float32),
            pltpu.SemaphoreType.DMA,
        ],
    )
    def gather_k(table_hbm, idx_hbm, out_hbm, idx_v, rows_v, sem):
        wid = lax.axis_index("s")

        @pl.when(wid < n_workers)
        def _():
            base = wid * rows_per_worker
            pltpu.sync_copy(idx_hbm.at[pl.ds(base, rows_per_worker)], idx_v)
            pltpu.async_copy(table_hbm.at[idx_v], rows_v, sem).wait()
            pltpu.sync_copy(rows_v, out_hbm.at[pl.ds(base, rows_per_worker)])

    return gather_k


def kernel(feature, memory, hash_W, hash_b):
    b, c, h, w = feature.shape
    flat = feature.reshape(b, c * h * w)
    idx = _hash_argmin(memory, flat, hash_W, hash_b)
    recon = _make_sc_gather()(memory, idx)
    return recon.reshape(b, c, h, w)

# --- scband reference (transcript-rebuilt; emitter-appended) ---
"""Pipeline reference for scband-hash-coding-layer-9887014716272 (READ-ONLY COPY).

The authoritative reference and input builder live on the scoring server;
editing this copy changes nothing except your own understanding.
"""

import jax, jax.numpy as jnp
import numpy as np

MEMORY_SIZE = 8192
FEATURE_SIZE = 4096
HASH_SIZE = 128


def setup_inputs(seed: int = 0) -> dict:
    key = jax.random.key(seed)
    k1, k2, k3, k4 = jax.random.split(key, 4)
    feature = jax.random.normal(k1, (32, 256, 4, 4), dtype=jnp.float32)
    stdv = 1.0 / np.sqrt(FEATURE_SIZE)
    memory = jax.random.uniform(k2, (MEMORY_SIZE, FEATURE_SIZE), minval=-stdv, maxval=stdv, dtype=jnp.float32)
    bound = 1.0 / np.sqrt(FEATURE_SIZE)
    hash_W = jax.random.uniform(k3, (HASH_SIZE, FEATURE_SIZE), minval=-bound, maxval=bound, dtype=jnp.float32)
    hash_b = jax.random.uniform(k4, (HASH_SIZE,), minval=-bound, maxval=bound, dtype=jnp.float32)
    return {"feature": feature, "memory": memory, "hash_W": hash_W, "hash_b": hash_b}


def reference(feature, memory, hash_W, hash_b):
    b, c, h, w = feature.shape
    flat = feature.reshape(b, c * h * w)
    # hash_layer(x) = x @ W^T + b  (torch Linear semantics)
    hashed_memory = 0.5 * (jnp.sign(memory @ hash_W.T + hash_b - 0.5) + 1.0)   # [M, 128]
    hashed_feature = 0.5 * (jnp.sign(flat @ hash_W.T + hash_b - 0.5) + 1.0)    # [B, 128]
    # Hamming distance between every feature code and every memory code
    HD = jnp.abs(hashed_memory[None, :, :] - hashed_feature[:, None, :]).sum(axis=2)  # [B, M]
    HD_indice = jnp.argmin(HD, axis=1)                                          # [B]
    recon_feature = jnp.take(memory, HD_indice, axis=0)                         # [B, feature_size]
    return recon_feature.reshape(b, c, h, w)

if __name__ == "__main__":
    import jax
    _d = setup_inputs()
    print(jax.jit(kernel)(*tuple(_d.values())))

</pallas_src>

<mosaic_0001>
#map = affine_map<(d0, d1) -> (0, 0)>
#map1 = affine_map<(d0, d1) -> (0)>
module attributes {stable_mosaic.version = 14 : i64} {
  func.func @gather_k(%arg0: i32, %arg1: i32, %arg2: memref<8192x4096xf32, #tpu.memory_space<hbm>>, %arg3: memref<32xi32, #tpu.memory_space<hbm>>, %arg4: memref<32x4096xf32, #tpu.memory_space<hbm>>, %arg5: memref<8xi32, #tpu.memory_space<vmem>>, %arg6: memref<8x4096xf32, #tpu.memory_space<vmem>>, %arg7: memref<!tpu.dma_semaphore, #tpu.memory_space<semaphore_mem>>) attributes {dimension_semantics = [#tpu.dimension_semantics<core_parallel>, #tpu.dimension_semantics<subcore_parallel>], iteration_bounds = array<i64: 1, 16>, scalar_prefetch = 0 : i64, scratch_operands = 3 : i64, tpu.core_type = #tpu.core_type<sc_vector_subcore>, window_params = [{transform_indices = #map}, {transform_indices = #map1}, {transform_indices = #map}]} {
    %lt3A = arith.constant 4 : i32
    %lt3A_0 = arith.cmpi slt, %arg1, %lt3A : i32
    %convert_element_type3A = arith.extui %lt3A_0 : i1 to i32
    %cond3A = arith.constant 0 : i32
    %cond3A_1 = arith.cmpi ne, %convert_element_type3A, %cond3A : i32
    scf.if %cond3A_1 {
      %mul3A = arith.constant 8 : i32
      %mul3A_2 = arith.muli %arg1, %mul3A : i32
      "tpu.region"() ({
        %run_scoped3A = tpu.sem_alloc : memref<!tpu.dma_semaphore, #tpu.memory_space<semaphore_mem>>
        %dma_start3A_7 = tpu.memref_slice %arg3[%mul3A_2] : memref<32xi32, #tpu.memory_space<hbm>> -> memref<8xi32, #tpu.memory_space<hbm>>
        %dma_start3A_8 = tpu.memref_slice %arg3[%mul3A_2] : memref<32xi32, #tpu.memory_space<hbm>> -> memref<8xi32, #tpu.memory_space<hbm>>
        tpu.enqueue_dma source(%dma_start3A_8 : memref<8xi32, #tpu.memory_space<hbm>>) target(%arg5 : memref<8xi32, #tpu.memory_space<vmem>>) target_semaphore(%run_scoped3A : memref<!tpu.dma_semaphore, #tpu.memory_space<semaphore_mem>>)
        %dma_wait3A_9 = tpu.memref_slice %arg3[%mul3A_2] : memref<32xi32, #tpu.memory_space<hbm>> -> memref<8xi32, #tpu.memory_space<hbm>>
        %dma_wait3A_10 = tpu.memref_slice %arg3[%mul3A_2] : memref<32xi32, #tpu.memory_space<hbm>> -> memref<8xi32, #tpu.memory_space<hbm>>
        tpu.wait_dma2 semaphore(%run_scoped3A : memref<!tpu.dma_semaphore, #tpu.memory_space<semaphore_mem>>) src(%dma_wait3A_10 : memref<8xi32, #tpu.memory_space<hbm>>) dst(%arg5 : memref<8xi32, #tpu.memory_space<vmem>>)
        tpu.yield
      }) : () -> ()
      %dma_start3A = arith.constant 0 : i32
      %dma_start3A_3 = arith.constant 0 : i32
      %dma_start3A_4 = tpu.memref_slice %arg2[%dma_start3A, %dma_start3A_3] : memref<8192x4096xf32, #tpu.memory_space<hbm>> -> memref<8192x4096xf32, #tpu.memory_space<hbm>>
      tpu.enqueue_indirect_dma source(%dma_start3A_4 : memref<8192x4096xf32, #tpu.memory_space<hbm>>) target(%arg6 : memref<8x4096xf32, #tpu.memory_space<vmem>>) offsets(%arg5 : memref<8xi32, #tpu.memory_space<vmem>>) semaphore(%arg7 : memref<!tpu.dma_semaphore, #tpu.memory_space<semaphore_mem>>)
      %dma_wait3A = arith.constant 0 : i32
      %dma_wait3A_5 = arith.constant 0 : i32
      %dma_wait3A_6 = tpu.memref_slice %arg2[%dma_wait3A, %dma_wait3A_5] : memref<8192x4096xf32, #tpu.memory_space<hbm>> -> memref<8192x4096xf32, #tpu.memory_space<hbm>>
      tpu.wait_indirect_dma semaphore(%arg7 : memref<!tpu.dma_semaphore, #tpu.memory_space<semaphore_mem>>) src(%dma_wait3A_6 : memref<8192x4096xf32, #tpu.memory_space<hbm>>) dst(%arg6 : memref<8x4096xf32, #tpu.memory_space<vmem>>)
      "tpu.region"() ({
        %run_scoped3A = tpu.sem_alloc : memref<!tpu.dma_semaphore, #tpu.memory_space<semaphore_mem>>
        %dma_start3A_7 = arith.constant 0 : i32
        %dma_start3A_8 = tpu.memref_slice %arg4[%mul3A_2, %dma_start3A_7] : memref<32x4096xf32, #tpu.memory_space<hbm>> -> memref<8x4096xf32, #tpu.memory_space<hbm>>
        %dma_start3A_9 = arith.constant 0 : i32
        %dma_start3A_10 = tpu.memref_slice %arg4[%mul3A_2, %dma_start3A_9] : memref<32x4096xf32, #tpu.memory_space<hbm>> -> memref<8x4096xf32, #tpu.memory_space<hbm>>
        tpu.enqueue_dma source(%arg6 : memref<8x4096xf32, #tpu.memory_space<vmem>>) target(%dma_start3A_10 : memref<8x4096xf32, #tpu.memory_space<hbm>>) target_semaphore(%run_scoped3A : memref<!tpu.dma_semaphore, #tpu.memory_space<semaphore_mem>>)
        %dma_wait3A_11 = arith.constant 0 : i32
        %dma_wait3A_12 = tpu.memref_slice %arg4[%mul3A_2, %dma_wait3A_11] : memref<32x4096xf32, #tpu.memory_space<hbm>> -> memref<8x4096xf32, #tpu.memory_space<hbm>>
        %dma_wait3A_13 = arith.constant 0 : i32
        %dma_wait3A_14 = tpu.memref_slice %arg4[%mul3A_2, %dma_wait3A_13] : memref<32x4096xf32, #tpu.memory_space<hbm>> -> memref<8x4096xf32, #tpu.memory_space<hbm>>
        tpu.wait_dma2 semaphore(%run_scoped3A : memref<!tpu.dma_semaphore, #tpu.memory_space<semaphore_mem>>) src(%arg6 : memref<8x4096xf32, #tpu.memory_space<vmem>>) dst(%dma_wait3A_14 : memref<8x4096xf32, #tpu.memory_space<hbm>>)
        tpu.yield
      }) : () -> ()
    } else {
    }
    return
  }
}

module attributes {stable_mosaic.version = 14 : i64} {
  func.func @_argmin_body(%arg0: i32, %arg1: memref<512x4096xf32, #tpu.memory_space<vmem>>, %arg2: memref<128x4096xf32, #tpu.memory_space<vmem>>, %arg3: memref<32x4096xf32, #tpu.memory_space<vmem>>, %arg4: memref<1x128xf32, #tpu.memory_space<vmem>>, %arg5: memref<1x32xi32, #tpu.memory_space<vmem>>, %arg6: memref<32x128xf32, #tpu.memory_space<vmem>>, %arg7: memref<1x32xf32, #tpu.memory_space<vmem>>) attributes {dimension_semantics = [#tpu.dimension_semantics<arbitrary>], iteration_bounds = array<i64: 16>, scalar_prefetch = 0 : i64, scratch_operands = 2 : i64, tpu.core_type = #tpu.core_type<tc>, window_params = [{transform_indices = @transform_0, window_bounds = array<i64: 512, 4096>}, {pipeline_mode = #tpu.pipeline_mode<synchronous>, transform_indices = @transform_1, window_bounds = array<i64: 128, 4096>}, {pipeline_mode = #tpu.pipeline_mode<synchronous>, transform_indices = @transform_2, window_bounds = array<i64: 32, 4096>}, {pipeline_mode = #tpu.pipeline_mode<synchronous>, transform_indices = @transform_3, window_bounds = array<i64: 1, 128>}, {pipeline_mode = #tpu.pipeline_mode<synchronous>, transform_indices = @transform_4, window_bounds = array<i64: 1, 32>}]} {
    %get3A = arith.constant 0 : index
    %get3A_0 = arith.constant 0 : index
    %get3A_1 = vector.load %arg4[%get3A, %get3A_0] : memref<1x128xf32, #tpu.memory_space<vmem>>, vector<1x128xf32>
    %sub3A = arith.constant 5.000000e-01 : f32
    %sub3A_2 = vector.broadcast %sub3A : f32 to vector<1x128xf32>
    %sub3A_3 = arith.subf %sub3A_2, %get3A_1 : vector<1x128xf32>
    %eq3A = arith.constant 0 : i32
    %eq3A_4 = arith.cmpi eq, %arg0, %eq3A : i32
    %convert_element_type3A = arith.extui %eq3A_4 : i1 to i32
    %cond3A = arith.constant 0 : i32
    %cond3A_5 = arith.cmpi ne, %convert_element_type3A, %cond3A : i32
    scf.if %cond3A_5 {
      %get3A_40 = arith.constant 0 : index
      %get3A_41 = arith.constant 0 : index
      %get3A_42 = vector.load %arg3[%get3A_40, %get3A_41] : memref<32x4096xf32, #tpu.memory_space<vmem>>, vector<32x4096xf32>
      %get3A_43 = arith.constant 0 : index
      %get3A_44 = arith.constant 0 : index
      %get3A_45 = vector.load %arg2[%get3A_43, %get3A_44] : memref<128x4096xf32, #tpu.memory_space<vmem>>, vector<128x4096xf32>
      %dot_general3A_46 = arith.constant dense<0.000000e+00> : vector<32x128xf32>
      %dot_general3A_47 = tpu.matmul %get3A_42, %get3A_45, %dot_general3A_46 {dimension_numbers = #tpu.dot_dimension_numbers<[1], [1], [0], [0], [0, 0, 1, 0], [], []>, transpose_lhs_hint = false} : vector<32x4096xf32>, vector<128x4096xf32>, vector<32x128xf32> -> vector<32x128xf32>
      %gt3A_48 = vector.broadcast %sub3A_3 : vector<1x128xf32> to vector<32x128xf32>
      %gt3A_49 = arith.cmpf ogt, %dot_general3A_47, %gt3A_48 : vector<32x128xf32>
      %convert_element_type3A_50 = arith.extui %gt3A_49 : vector<32x128xi1> to vector<32x128xi32>
      %convert_element_type3A_51 = arith.sitofp %convert_element_type3A_50 : vector<32x128xi32> to vector<32x128xf32>
      %mul3A_52 = arith.constant 2.000000e+00 : f32
      %mul3A_53 = vector.broadcast %mul3A_52 : f32 to vector<32x128xf32>
      %mul3A_54 = arith.mulf %mul3A_53, %convert_element_type3A_51 : vector<32x128xf32>
      %sub3A_55 = arith.constant 1.000000e+00 : f32
      %sub3A_56 = vector.broadcast %sub3A_55 : f32 to vector<32x128xf32>
      %sub3A_57 = arith.subf %sub3A_56, %mul3A_54 : vector<32x128xf32>
      %swap3A_58 = arith.constant 0 : index
      %swap3A_59 = arith.constant 0 : index
      %swap3A_60 = vector.load %arg6[%swap3A_58, %swap3A_59] : memref<32x128xf32, #tpu.memory_space<vmem>>, vector<32x128xf32>
      tpu.vector_store %arg6[%swap3A_58, %swap3A_59], %sub3A_57 {strides = array<i32>} : memref<32x128xf32, #tpu.memory_space<vmem>>, vector<32x128xf32>,
      %broadcast_in_dim3A_61 = arith.constant 1.000000e+30 : f32
      %broadcast_in_dim3A_62 = vector.broadcast %broadcast_in_dim3A_61 : f32 to vector<1x32xf32>
      %swap3A_63 = arith.constant 0 : index
      %swap3A_64 = arith.constant 0 : index
      %swap3A_65 = vector.load %arg7[%swap3A_63, %swap3A_64] : memref<1x32xf32, #tpu.memory_space<vmem>>, vector<1x32xf32>
      tpu.vector_store %arg7[%swap3A_63, %swap3A_64], %broadcast_in_dim3A_62 {strides = array<i32>} : memref<1x32xf32, #tpu.memory_space<vmem>>, vector<1x32xf32>,
    } else {
    }
    %get3A_6 = arith.constant 0 : index
    %get3A_7 = arith.constant 0 : index
    %get3A_8 = vector.load %arg1[%get3A_6, %get3A_7] : memref<512x4096xf32, #tpu.memory_space<vmem>>, vector<512x4096xf32>
    %get3A_9 = arith.constant 0 : index
    %get3A_10 = arith.constant 0 : index
    %get3A_11 = vector.load %arg2[%get3A_9, %get3A_10] : memref<128x4096xf32, #tpu.memory_space<vmem>>, vector<128x4096xf32>
    %dot_general3A = arith.constant dense<0.000000e+00> : vector<512x128xf32>
    %dot_general3A_12 = tpu.matmul %get3A_8, %get3A_11, %dot_general3A {dimension_numbers = #tpu.dot_dimension_numbers<[1], [1], [0], [0], [0, 0, 1, 0], [], []>, transpose_lhs_hint = false} : vector<512x4096xf32>, vector<128x4096xf32>, vector<512x128xf32> -> vector<512x128xf32>
    %gt3A = vector.broadcast %sub3A_3 : vector<1x128xf32> to vector<512x128xf32>
    %gt3A_13 = arith.cmpf ogt, %dot_general3A_12, %gt3A : vector<512x128xf32>
    %convert_element_type3A_14 = arith.extui %gt3A_13 : vector<512x128xi1> to vector<512x128xi32>
    %convert_element_type3A_15 = arith.sitofp %convert_element_type3A_14 : vector<512x128xi32> to vector<512x128xf32>
    %get3A_16 = arith.constant 0 : index
    %get3A_17 = arith.constant 0 : index
    %get3A_18 = vector.load %arg6[%get3A_16, %get3A_17] : memref<32x128xf32, #tpu.memory_space<vmem>>, vector<32x128xf32>
    %dot_general3A_19 = arith.constant dense<0.000000e+00> : vector<512x32xf32>
    %dot_general3A_20 = tpu.matmul %convert_element_type3A_15, %get3A_18, %dot_general3A_19 {dimension_numbers = #tpu.dot_dimension_numbers<[1], [1], [0], [0], [0, 0, 1, 0], [], []>, transpose_lhs_hint = false} : vector<512x128xf32>, vector<32x128xf32>, vector<512x32xf32> -> vector<512x32xf32>
    %iota3A = tpu.iota {dimensions = array<i32: 0>} : vector<512x32xi32>
    %convert_element_type3A_21 = arith.sitofp %iota3A : vector<512x32xi32> to vector<512x32xf32>
    %mul3A = arith.constant 8.192000e+03 : f32
    %mul3A_22 = vector.broadcast %mul3A : f32 to vector<512x32xf32>
    %mul3A_23 = arith.mulf %dot_general3A_20, %mul3A_22 : vector<512x32xf32>
    %mul3A_24 = arith.constant 512 : i32
    %mul3A_25 = arith.muli %arg0, %mul3A_24 : i32
    %convert_element_type3A_26 = arith.sitofp %mul3A_25 : i32 to f32
    %add3A = vector.broadcast %convert_element_type3A_26 : f32 to vector<512x32xf32>
    %add3A_27 = arith.addf %convert_element_type3A_21, %add3A : vector<512x32xf32>
    %add3A_28 = arith.addf %mul3A_23, %add3A_27 : vector<512x32xf32>
    %get3A_29 = arith.constant 0 : index
    %get3A_30 = arith.constant 0 : index
    %get3A_31 = vector.load %arg7[%get3A_29, %get3A_30] : memref<1x32xf32, #tpu.memory_space<vmem>>, vector<1x32xf32>
    %reduce_min3A = arith.constant dense<0x7F800000> : vector<32xf32>
    %reduce_min3A_32 = vector.multi_reduction <minimumf>, %add3A_28, %reduce_min3A [0] : vector<512x32xf32> to vector<32xf32>
    %broadcast_in_dim3A = vector.shape_cast %reduce_min3A_32 : vector<32xf32> to vector<1x32xf32>
    %min3A = arith.minimumf %get3A_31, %broadcast_in_dim3A : vector<1x32xf32>
    %swap3A = arith.constant 0 : index
    %swap3A_33 = arith.constant 0 : index
    %swap3A_34 = vector.load %arg7[%swap3A, %swap3A_33] : memref<1x32xf32, #tpu.memory_space<vmem>>, vector<1x32xf32>
    tpu.vector_store %arg7[%swap3A, %swap3A_33], %min3A {strides = array<i32>} : memref<1x32xf32, #tpu.memory_space<vmem>>, vector<1x32xf32>,
    %eq3A_35 = arith.constant 15 : i32
    %eq3A_36 = arith.cmpi eq, %arg0, %eq3A_35 : i32
    %convert_element_type3A_37 = arith.extui %eq3A_36 : i1 to i32
    %cond3A_38 = arith.constant 0 : i32
    %cond3A_39 = arith.cmpi ne, %convert_element_type3A_37, %cond3A_38 : i32
    scf.if %cond3A_39 {
      %get3A_40 = arith.constant 0 : index
      %get3A_41 = arith.constant 0 : index
      %get3A_42 = vector.load %arg7[%get3A_40, %get3A_41] : memref<1x32xf32, #tpu.memory_space<vmem>>, vector<1x32xf32>
      %div3A = arith.constant 8.192000e+03 : f32
      %div3A_43 = vector.broadcast %div3A : f32 to vector<1x32xf32>
      %div3A_44 = arith.divf %get3A_42, %div3A_43 : vector<1x32xf32>
      %floor3A = math.floor %div3A_44 : vector<1x32xf32>
      %mul3A_45 = arith.constant 8.192000e+03 : f32
      %mul3A_46 = vector.broadcast %mul3A_45 : f32 to vector<1x32xf32>
      %mul3A_47 = arith.mulf %floor3A, %mul3A_46 : vector<1x32xf32>
      %sub3A_48 = arith.subf %get3A_42, %mul3A_47 : vector<1x32xf32>
      %convert_element_type3A_49 = arith.fptosi %sub3A_48 : vector<1x32xf32> to vector<1x32xi32>
      %swap3A_50 = arith.constant 0 : index
      %swap3A_51 = arith.constant 0 : index
      %swap3A_52 = vector.load %arg5[%swap3A_50, %swap3A_51] : memref<1x32xi32, #tpu.memory_space<vmem>>, vector<1x32xi32>
      tpu.vector_store %arg5[%swap3A_50, %swap3A_51], %convert_element_type3A_49 {strides = array<i32>} : memref<1x32xi32, #tpu.memory_space<vmem>>, vector<1x32xi32>,
    } else {
    }
    return
  }
  func.func @transform_0(%arg0: i32) -> (i32, i32) {
    %c0_i32 = arith.constant 0 : i32
    %c0_i32_0 = arith.constant 0 : i32
    return %arg0, %c0_i32 : i32, i32
  }
  func.func @transform_1(%arg0: i32) -> (i32, i32) {
    %c0_i32 = arith.constant 0 : i32
    %c0_i32_0 = arith.constant 0 : i32
    %c0_i32_1 = arith.constant 0 : i32
    return %c0_i32, %c0_i32_0 : i32, i32
  }
  func.func @transform_2(%arg0: i32) -> (i32, i32) {
    %c0_i32 = arith.constant 0 : i32
    %c0_i32_0 = arith.constant 0 : i32
    %c0_i32_1 = arith.constant 0 : i32
    return %c0_i32, %c0_i32_0 : i32, i32
  }
  func.func @transform_3(%arg0: i32) -> (i32, i32) {
    %c0_i32 = arith.constant 0 : i32
    %c0_i32_0 = arith.constant 0 : i32
    %c0_i32_1 = arith.constant 0 : i32
    return %c0_i32, %c0_i32_0 : i32, i32
  }
  func.func @transform_4(%arg0: i32) -> (i32, i32) {
    %c0_i32 = arith.constant 0 : i32
    %c0_i32_0 = arith.constant 0 : i32
    %c0_i32_1 = arith.constant 0 : i32
    return %c0_i32, %c0_i32_0 : i32, i32
  }
}

</mosaic_0001>

<sc_bundles>
// kernel: kernel.4.cloned.1.call-start
scs
__scs_entry_jumppad:
0x0: {  	(pc) =	sbr.rel $0x88, $3  }
0x1: {  	(tag) =	ssettag $0x0;
	lr =	simm.s32 $0x1  }
0x2: {  	[smem:$0x3F9D] =	sst lr;
	_ =	strace $0xD0000000  }
0x3: {  	_ = 	snop  }
0x4: {  	_ = 	snop  }
0x5: {  	_ = 	snop  }
0x6: {  	_ = 	snop  }
0x7: {  	_ = 	snop  }
__scs_overlays_trampoline_lowered:
0x8: {  	[smem:$0x3FAC] =	sst s0  }
0x9: {  	[smem:$0x3FAD] =	sst s1  }
0xa: {  	[smem:$0x3FAE] =	sst s2  }
0xb: {  	[smem:$0x3FAF] =	sst s3  }
0xc: {  	[smem:$0x3FB0] =	sst s4  }
0xd: {  	[smem:$0x3FB1] =	sst s5  }
0xe: {  	[smem:$0x3FB2] =	sst s6  }
0xf: {  	[smem:$0x3FB3] =	sst s7  }
0x10: {  	[smem:$0x3FB4] =	sst s8  }
0x11: {  	[smem:$0x3FB5] =	sst s9;
	s0 =	simm.s32 @!p0 $0x0  }
0x12: {  	s1 =	sld [smem:$0x3F9B];
	s0 =	simm.s32 @p0 $0x1  }
0x13: {  	[smem:$0x3FB6] =	sst s0;
	s0 =	simm.s32 @!p1 $0x0  }
0x14: {  	s2 =	sld [smem:$0x3F9A];
	s0 =	simm.s32 @p1 $0x1  }
0x15: {  	[smem:$0x3FB7] =	sst s0;
	s0 =	simm.s32 @!p2 $0x0  }
0x16: {  	s3 =	sld [smem:$0x3FDB];
	s0 =	simm.s32 @p2 $0x1  }
0x17: {  	s4 =	simm.s32 $0x1BF5;
	[smem:$0x3FB9] =	sst s0  }
0x18: {  	s0 =	sld [smem:$0x3F9C];
	_ =	swait.ge [sflag:s4], $0x0  }
0x19: {  	s7 =	sld [smem:$0x3F9D]  }
0x1a: {  	s8 =	sadd.s32 $0xFFFFE003, lr  }
0x1b: {  	s9 =	sadd.s32 $0xFFFFFEF7, lr;
	s5 =	simm.s32 $0xFFFFFFFF;
	p2 =	slt.u32 s8, $0xFFFFF086  }
0x1c: {  	p1 =	slt.u32 s9, $0xF7A;
	s5 =	simm.s32 @!p2 $0x0  }
0x1d: {  	s5 =	simm.s32 @p1 $0x1;
	p0 =	seq.s32 s7, s2  }
0x1e: {  	s7 =	smul.u32 @!p0 $0xF7A, s2;
	p2 =	seq.s32 @!p0 s5, $0x0  }
0x1f: {  	s9 =	smul.u32 $0xF7A, s1;
	s8 =	simm.s32 @!p0 $0x1BF5;
	p2 =	por !p2, p0  }
0x20: {  	[sflag:s8] =	ssyncset.s32 @!p0 $0xFFFFF086;
	s6 =	sadd.s32 @!p0 s3, s7;
	s7 =	simm.s32 @!p0 $0x108  }
0x21: {  	s3 =	sadd.s32 s3, s9;
	s6 =	sadd.s32 @!p0 $0x88, s6;
	s7 =	simm.s32 @p2 $0x1082  }
0x22: {  	[simem:s7], [sflag:s8] =	dma.local @!p0 [hbm:s6], $0xF7A  }
0x23: {  	s9 =	sor.u32 $0xD0000000, s2;
	s6 =	simm.s32 $0x108;
	_ =	swait.ge @!p0 [sflag:s8], $0x0  }
0x24: {  	s3 =	sadd.s32 $0x88, s3;
	s6 =	simm.s32 @!p1 $0x1082;
	[sflag:s4] =	ssyncset.s32 $0xFFFFF086  }
0x25: {  	[simem:s6], [sflag:s4] =	dma.local [hbm:s3], $0xF7A  }
0x26: {  	[smem:$0x3F9D] =	sst s1;
	(tag) =	ssettag s2;
	_ =	strace s9  }
0x27: {  	s1 =	sld [smem:$0x3FAD]  }
0x28: {  	s2 =	sld [smem:$0x3FAE]  }
0x29: {  	s4 =	sld [smem:$0x3FB0]  }
0x2a: {  	p0 =	seq.s32 s5, $0x0;
	s5 =	sld [smem:$0x3FB1]  }
0x2b: {  	s6 =	sld [smem:$0x3FB2]  }
0x2c: {  	s7 =	sld [smem:$0x3FB3]  }
0x2d: {  	s3 =	simm.s32 $0x108;
	s8 =	sld [smem:$0x3FB4]  }
0x2e: {  	s3 =	simm.s32 @!p0 $0x1082;
	s9 =	sld [smem:$0x3FB5]  }
0x2f: {  	lr =	sadd.s32 s0, s3;
	s0 =	sld [smem:$0x3FAC]  }
0x30: {  	s3 =	sld [smem:$0x3FAF]  }
0x31: {  	[smem:$0x3FB8] =	sst s10  }
0x32: {  	s10 =	sld [smem:$0x3FB6];
	_ =	sdelay $0x3  }
0x33: {  	p0 =	seq.s32 s10, $0x1;
	s10 =	sld [smem:$0x3FB8];
	_ =	sdelay $0x3  }
0x34: {  	[smem:$0x3FB8] =	sst s10  }
0x35: {  	s10 =	sld [smem:$0x3FB7];
	_ =	sdelay $0x3  }
0x36: {  	p1 =	seq.s32 s10, $0x1;
	s10 =	sld [smem:$0x3FB8];
	_ =	sdelay $0x3  }
0x37: {  	[smem:$0x3FB8] =	sst s10  }
0x38: {  	s10 =	sld [smem:$0x3FB9]  }
0x39: {  	_ = 	snop;
	(pc) =	sbr.ind lr, $3  }
0x3a: {  	_ = 	snop  }
0x3b: {  	_ = 	snop  }
0x3c: {  	p2 =	seq.s32 s10, $0x1;
	s10 =	sld [smem:$0x3FB8]  }
0x3d: {  	_ =	shalt  }
0x3e: {  	_ =	shalt  }
0x3f: {  	_ =	shalt  }
0x40: {  	_ =	shalt  }
0x41: {  	_ =	shalt  }
0x42: {  	_ =	shalt  }
0x43: {  	_ =	shalt  }
0x44: {  	_ =	shalt  }
0x45: {  	_ =	shalt  }
0x46: {  	_ =	shalt  }
0x47: {  	_ =	shalt  }
0x48: {  	_ =	shalt  }
0x49: {  	_ =	shalt  }
0x4a: {  	_ =	shalt  }
0x4b: {  	_ =	shalt  }
0x4c: {  	_ =	shalt  }
0x4d: {  	_ =	shalt  }
0x4e: {  	_ =	shalt  }
0x4f: {  	_ =	shalt  }
0x50: {  	_ =	shalt  }
0x51: {  	_ =	shalt  }
0x52: {  	_ =	shalt  }
0x53: {  	_ =	shalt  }
0x54: {  	_ =	shalt  }
0x55: {  	_ =	shalt  }
0x56: {  	_ =	shalt  }
0x57: {  	_ =	shalt  }
0x58: {  	_ =	shalt  }
0x59: {  	_ =	shalt  }
0x5a: {  	_ =	shalt  }
0x5b: {  	_ =	shalt  }
0x5c: {  	_ =	shalt  }
0x5d: {  	_ =	shalt  }
0x5e: {  	_ =	shalt  }
0x5f: {  	_ =	shalt  }
0x60: {  	_ =	shalt  }
0x61: {  	_ =	shalt  }
0x62: {  	_ =	shalt  }
0x63: {  	_ =	shalt  }
0x64: {  	_ =	shalt  }
0x65: {  	_ =	shalt  }
0x66: {  	_ =	shalt  }
0x67: {  	_ =	shalt  }
0x68: {  	_ =	shalt  }
0x69: {  	_ =	shalt  }
0x6a: {  	_ =	shalt  }
0x6b: {  	_ =	shalt  }
0x6c: {  	_ =	shalt  }
0x6d: {  	_ =	shalt  }
0x6e: {  	_ =	shalt  }
0x6f: {  	_ =	shalt  }
0x70: {  	_ =	shalt  }
0x71: {  	_ =	shalt  }
0x72: {  	_ =	shalt  }
0x73: {  	_ =	shalt  }
0x74: {  	_ =	shalt  }
0x75: {  	_ =	shalt  }
0x76: {  	_ =	shalt  }
0x77: {  	_ =	shalt  }
0x78: {  	_ =	shalt  }
0x79: {  	_ =	shalt  }
0x7a: {  	_ =	shalt  }
0x7b: {  	_ =	shalt  }
0x7c: {  	_ =	shalt  }
0x7d: {  	_ =	shalt  }
0x7e: {  	_ =	shalt  }
0x7f: {  	_ =	shalt  }
0x80: {  	_ =	shalt  }
0x81: {  	_ =	shalt  }
0x82: {  	_ =	shalt  }
0x83: {  	_ =	shalt  }
0x84: {  	_ =	shalt  }
0x85: {  	_ =	shalt  }
0x86: {  	_ =	shalt  }
0x87: {  	_ =	shalt  }
.Lfunc_end0:
.L_simem_size_0:
called_computation_lowered:
.L_overlay_start_0:
0x88: {  	s0 =	sld [smem:$0x3FD9]  }
0x89: {  	s1 =	sld [smem:$0x3FFE];
	_ =	sdelay $0x3  }
0x8a: {  	s0 =	sadd.s32 s1, s0  }
0x8b: {  	[smem:$0x3FC4] =	sst s0  }
0x8c: {  	_ = 	snop  }
0x8d: {  	s0 =	sld [smem:$0x3FC8]  }
0x8e: {  	s16 =	sld [smem:$0x3FD0];
	(tm) =	ssettm $0x1  }
0x8f: {  	s2 =	sld [smem:$0x3FFB];
	_ =	sdelay $0x3  }
0x90: {  	_ =	strace s2  }
0x91: {  	s2 =	sld [smem:$0x3FFC];
	_ =	sdelay $0x3  }
0x92: {  	_ =	strace s2  }
0x93: {  	s2 =	sld [smem:$0x3FFD];
	_ =	sdelay $0x3  }
0x94: {  	_ =	strace s2  }
0x95: {  	_ =	strace $0x8FFFFFFF  }
0x96: {  	s17 =	sld [smem:$0x3FDB];
	_ =	sdelay $0x1  }
0x97: {  	s3 =	simm.s32 $_scs_section_size  }
0x98: {  	s4 =	simm.s32 $_size__tile_overlayer_lowered;
	s5 =	simm.s32 $_tile_overlayer_lowered  }
0x99: {  	s20 =	simm.s32 $0x1BFF;
	s19 =	sshll.u32 s5, $0x1;
	s2 =	sadd.s32 s3, s17  }
0x9a: {  	s6 =	simm.s32 $0x0;
	s18 =	sshll.u32 s4, $0x1;
	s4 =	sadd.s32 s19, s2  }
0x9b: {  	[timem:s6], [sflag:s20] =	dma.local [hbm:s4], s18  }
0x9c: {  	_ =	swait.ge [sflag:s20], s18  }
0x9d: {  	s3 =	ssub.s32 $0x0, s18;
	[sflag:s20] =	ssyncset.done $0x0  }
0x9e: {  	[sflag:s20] =	ssyncadd.s32 s3;
	_ =	sdelay $0x1  }
0x9f: {  	s21 =	simm.s32 $0x1B8B  }
0xa0: {  	_ =	swait.ge [sflag:s21], $0x1  }
0xa1: {  	[sflag:s21] =	ssyncset.done $0x0  }
0xa2: {  	s23 =	simm.s32 $0x1B8E;
	s22 =	sld [smem:$0x3FFE];
	[sflag:s21] =	ssyncadd.s32 $0xFFFFFFFF  }
0xa3: {  	s24 =	simm.s32 $execute0_lowered;
	[smem:$0x3FD2] =	sst s23  }
0xa4: {  	s4 =	sshll.u32 s24, $0x1;
	_ =	strace $0x80000046;
	[dreg:$0x1] =	wrdreg $0xFFFFFFFF  }
0xa5: {  	s25 =	simm.s32 $_size_execute0_lowered;
	s2 =	sadd.s32 s2, s4;
	[dreg:$0x0] =	wrdreg $0x0  }
0xa6: {  	s4 =	sshll.u32 s25, $0x1;
	[dreg:$0x2] =	wrdreg s2  }
0xa7: {  	[dreg:$0x3] =	wrdreg s4  }
0xa8: {  	[dreg:$0x4] =	wrdreg $0xC0  }
0xa9: {  	_ =	task [dreg:s6], $0x5FFFF  }
0xaa: {  	[dreg:$0x1] =	wrdreg $0xFFFFFFFF  }
0xab: {  	[dreg:$0x0] =	wrdreg $0x60  }
0xac: {  	[dreg:$0x2] =	wrdreg s0  }
0xad: {  	[dreg:$0x3] =	wrdreg s22  }
0xae: {  	[dreg:$0x4] =	wrdreg s16  }
0xaf: {  	[dreg:$0x5] =	wrdreg $0x9  }
0xb0: {  	_ =	task.clear_ibuf [dreg:s6], $0x6FFFF;
	_ =	strace $0x90000046  }
0xb1: {  	s26 =	simm.s32 $0x9;
	_ =	strace $0x80000048  }
0xb2: {  	_ =	swait.ge [sflag:s26], $0x1  }
0xb3: {  	[sflag:s26] =	ssyncadd.s32 $0xFFFFFFFF  }
0xb4: {  	_ =	strace $0x90000048  }
0xb5: {  	_ =	sfence  }
0xb6: {  	s28 =	sld [smem:$0x0];
	_ =	sdelay $0x1  }
0xb7: {  	s29 =	srdreg.scid  }
0xb8: {  	s30 =	sshll.u32 s29, $0xD;
	s31 =	sshrl.u32 s29, $0x2  }
0xb9: {  	s1 =	sand.u32 $0x1, s29;
	s2 =	sand.u32 $0x4000, s30;
	s0 =	sadd.s32 s31, s28  }
0xba: {  	s1 =	sor.u32 s2, s1;
	s0 =	sshll.u32 s0, $0x11  }
0xbb: {  	s0 =	sor.u32 s0, s1  }
0xbc: {  	s0 =	sadd.s32 $0x8F2B, s0  }
0xbd: {  	[sflag:s0] =	ssyncadd.remote.s32 $0x1  }
0xbe: {  	_ =	sfence.sel $0xFFFF  }
0xbf: {  	[dreg:$0x0] =	wrdreg $0xFFFFFFFF;
	(pc) =	sbr.abs _section_cstart, $3  }
0xc0: {  	[dreg:$0x1] =	wrdreg $0xFFFFFFFF  }
0xc1: {  	_ =	task.clear_ibuf [dreg:s6], $0x2FFFF;
	_ =	strace $0x9FFFFFFF  }
0xc2: {  	(tm) =	ssettm $0x7FFFFFFF  }
0xc3: {  	_ =	shalt  }
tec
execute0_lowered:
.L_overlay_start_1:
0x0: {  	(tag) =	ssettag $0x1  }
0x1: {  	s1 =	stileid.u32  }
0x2: {  	p0 =	sgt.u32 s1, $0x3  }
.Ltmp0:
0x3: {  	s4 =	rddreg [dreg:$0x0];
	(pc) =	sbr.rel @p0 .LBB2_2-.Ltmp0, $4  }
0x4: {  	s5 =	rddreg [dreg:$0x1]  }
0x5: {  	s2 =	rddreg [dreg:$0x2];
	s3 =	simm.s32 $0x0  }
0x6: {  	[smem:$0x7FF] =	sst s3  }
0x7: {  	s0 =	rddreg [dreg:$0x3];
	_ =	strace $0x80000047  }
0x8: {  	s5 =	sadd.s32 $0xA00, s5  }
0x9: {  	s5 =	sadd.s32 s5, s1  }
0xa: {  	[tilespmem:s3], [sflag:$0x2] =	stream.linear.gather [hbm4b:s5+s3], $0x8, $0x38;
	[tilespmem:$0x8080] =	vst v63  }
0xb: {  	s5 =	simm.s32 $0x2  }
0xc: {  	_ =	swait.ge [sflag:s5], $0x8  }
0xd: {  	[sflag:s5] =	ssyncset.done $0x0  }
0xe: {  	[sflag:s5] =	ssyncadd.s32 $0xFFFFFFF8  }
0xf: {  	v0 =	vld.msk [tilespmem:$0x0], $0xff;
	_ =	sdelay $0x4  }
0x10: {  	v1 =	vshll.u32 v0, $0x5  }
0x11: {  	v2 =	vlaneseq.u32;
	v0 =	vand.u32 $0x7, v0;
	v1 =	vand.u32 $0xFFFFFF00, v1  }
0x12: {  	v62 =	vand.u32 $0x7, v2;
	v2 =	vshrl.u32 v2, $0x3;
	v0 =	vor.u32 v0, v1  }
0x13: {  	v63 =	vmul.u32 $0x8, v2;
	v0 =	vperm.xlane v0, v62;
	_ =	sdelay $0x1  }
0x14: {  	v0 =	vadd.s32 v63, v0;
	_ =	sdelay $0x3  }
0x15: {  	vm0 =	vmmov $0xffff;
	s6 =	simm.s32 $0x80  }
0x16: {  	[tilespmem:s6], [sflag:$0x1] =	stream.indirect_vreg.gather [hbm4b:s4+s3], $0x80, v0, vm0, $0xb8;
	[tilespmem:$0x8080] =	vst v63  }
0x17: {  	s7 =	sadd.s32 $0x100, s4;
	s8 =	simm.s32 $0x880  }
0x18: {  	[tilespmem:s8], [sflag:$0x1] =	stream.indirect_vreg.gather [hbm4b:s7+s3], $0x80, v0, vm0, $0xb8;
	[tilespmem:$0x8080] =	vst v63  }
0x19: {  	s23 =	sadd.s32 $0x200, s4;
	s24 =	simm.s32 $0x1080  }
0x1a: {  	[tilespmem:s24], [sflag:$0x1] =	stream.indirect_vreg.gather [hbm4b:s23+s3], $0x80, v0, vm0, $0xb8;
	[tilespmem:$0x8080] =	vst v63  }
0x1b: {  	s25 =	sadd.s32 $0x300, s4;
	s26 =	simm.s32 $0x1880  }
0x1c: {  	[tilespmem:s26], [sflag:$0x1] =	stream.indirect_vreg.gather [hbm4b:s25+s3], $0x80, v0, vm0, $0xb8;
	[tilespmem:$0x8080] =	vst v63  }
0x1d: {  	s28 =	sadd.s32 $0x400, s4;
	s29 =	simm.s32 $0x2080  }
0x1e: {  	[tilespmem:s29], [sflag:$0x1] =	stream.indirect_vreg.gather [hbm4b:s28+s3], $0x80, v0, vm0, $0xb8;
	[tilespmem:$0x8080] =	vst v63  }
0x1f: {  	s30 =	sadd.s32 $0x500, s4;
	s31 =	simm.s32 $0x2880  }
0x20: {  	[tilespmem:s31], [sflag:$0x1] =	stream.indirect_vreg.gather [hbm4b:s30+s3], $0x80, v0, vm0, $0xb8;
	[tilespmem:$0x8080] =	vst v63  }
0x21: {  	s9 =	sadd.s32 $0x600, s4;
	s10 =	simm.s32 $0x3080  }
0x22: {  	[tilespmem:s10], [sflag:$0x1] =	stream.indirect_vreg.gather [hbm4b:s9+s3], $0x80, v0, vm0, $0xb8;
	[tilespmem:$0x8080] =	vst v63  }
0x23: {  	s11 =	sadd.s32 $0x700, s4;
	s12 =	simm.s32 $0x3880  }
0x24: {  	[tilespmem:s12], [sflag:$0x1] =	stream.indirect_vreg.gather [hbm4b:s11+s3], $0x80, v0, vm0, $0xb8;
	[tilespmem:$0x8080] =	vst v63  }
0x25: {  	s13 =	sadd.s32 $0x800, s4;
	s14 =	simm.s32 $0x4080  }
0x26: {  	[tilespmem:s14], [sflag:$0x1] =	stream.indirect_vreg.gather [hbm4b:s13+s3], $0x80, v0, vm0, $0xb8;
	[tilespmem:$0x8080] =	vst v63  }
0x27: {  	s15 =	sadd.s32 $0x900, s4;
	s16 =	simm.s32 $0x4880  }
0x28: {  	[tilespmem:s16], [sflag:$0x1] =	stream.indirect_vreg.gather [hbm4b:s15+s3], $0x80, v0, vm0, $0xb8;
	[tilespmem:$0x8080] =	vst v63  }
0x29: {  	s17 =	sadd.s32 $0xA00, s4;
	s18 =	simm.s32 $0x5080  }
0x2a: {  	[tilespmem:s18], [sflag:$0x1] =	stream.indirect_vreg.gather [hbm4b:s17+s3], $0x80, v0, vm0, $0xb8;
	[tilespmem:$0x8080] =	vst v63  }
0x2b: {  	s19 =	sadd.s32 $0xB00, s4;
	s20 =	simm.s32 $0x5880  }
0x2c: {  	[tilespmem:s20], [sflag:$0x1] =	stream.indirect_vreg.gather [hbm4b:s19+s3], $0x80, v0, vm0, $0xb8;
	[tilespmem:$0x8080] =	vst v63  }
0x2d: {  	s21 =	sadd.s32 $0xC00, s4;
	s22 =	simm.s32 $0x6080  }
0x2e: {  	[tilespmem:s22], [sflag:$0x1] =	stream.indirect_vreg.gather [hbm4b:s21+s3], $0x80, v0, vm0, $0xb8;
	[tilespmem:$0x8080] =	vst v63  }
0x2f: {  	s23 =	sadd.s32 $0xD00, s4;
	s24 =	simm.s32 $0x6880  }
0x30: {  	[tilespmem:s24], [sflag:$0x1] =	stream.indirect_vreg.gather [hbm4b:s23+s3], $0x80, v0, vm0, $0xb8;
	[tilespmem:$0x8080] =	vst v63  }
0x31: {  	s25 =	sadd.s32 $0xE00, s4;
	s26 =	simm.s32 $0x7080  }
0x32: {  	[tilespmem:s26], [sflag:$0x1] =	stream.indirect_vreg.gather [hbm4b:s25+s3], $0x80, v0, vm0, $0xb8;
	[tilespmem:$0x8080] =	vst v63  }
0x33: {  	s28 =	sadd.s32 $0xF00, s4;
	s29 =	simm.s32 $0x7880;
	s30 =	simm.s32 $0x1  }
0x34: {  	[tilespmem:s29], [sflag:$0x1] =	stream.indirect_vreg.gather [hbm4b:s28+s3], $0x80, v0, vm0, $0xb8;
	[tilespmem:$0x8080] =	vst v63  }
0x35: {  	_ =	swait.ge [sflag:s30], $0x8000  }
0x36: {  	s31 =	sshll.u32 s1, $0xC;
	[sflag:s30] =	ssyncset.done $0x0  }
0x37: {  	s2 =	sadd.s32 s2, s31;
	[sflag:s30] =	ssyncadd.s32 $0xFFFF8000  }
0x38: {  	[hbm4b:s2+s3] =	stream.linear.scatter [tilespmem:s6], [sflag:$0x2], $0x8000, $0x38;
	[tilespmem:$0x8080] =	vst v63  }
0x39: {  	_ =	swait.ge [sflag:s5], $0x8000  }
0x3a: {  	[sflag:s5] =	ssyncset.done $0x0  }
0x3b: {  	[sflag:s5] =	ssyncadd.s32 $0xFFFF8000  }
.LBB2_2:
0x3c: {  	_ =	sfence.sel $0x180000  }
0x3d: {  	[bflag:$0x0] =	sbarrier.arrive $0xFFFF  }
0x3e: {  	p0 =	sne.s32 s1, $0x0;
	_ =	strace $0x90000047  }
0x3f: {  	s0 =	sadd.s32 @!p0 $0x100000, s0;
	[bflag:$0x2] =	sbarrier.arrive $0xFFFF  }
0x40: {  	[sflag:s0] =	ssyncadd.tile.s32 @!p0 $0x1;
	_ =	shalt  }
.Lfunc_end2:
_tile_overlayer_lowered:
.L_overlay_start_2:
0x41: {  	(tag) =	ssettag $0x2  }
0x42: {  	s0 =	rddreg [dreg:$0x0];
	s2 =	stileid.u32  }
0x43: {  	s1 =	rddreg [dreg:$0x1];
	p0 =	sne.s32 s2, $0x0  }
0x44: {  	s3 =	rddreg [dreg:$0x2];
	[bflag:$0x3] =	sbarrier.arrive $0xFFFF;
	s2 =	simm.s32 @!p0 $0x1C02  }
0x45: {  	[timem:s3], [sflag:s2] =	dma.local @!p0 [hbm:s0], s1  }
0x46: {  	s0 =	simm.s32 @!p0 $0x2  }
0x47: {  	_ =	swait.ge @!p0 [sflag:s0], s1  }
0x48: {  	s1 =	ssub.s32 @!p0 $0x0, s1;
	[sflag:s0] =	ssyncset.done @!p0 $0x0  }
0x49: {  	[sflag:s0] =	ssyncadd.s32 @!p0 s1  }
0x4a: {  	[bflag:$0x3] =	sbarrier.arrive $0xFFFF  }
0x4b: {  	_ =	shalt  }

</sc_bundles>
